<compile_context>
chip_gen: v7x
topology: tpu7x:2x2x1
jax: 0.10.2.dev20260603
libtpu: 0.0.44.dev20260713+nightly
codegen_flags: <defaults>
</compile_context>

<pallas_src>
import jax
import jax.numpy as jnp
from jax import lax
from jax.experimental import pallas as pl
from jax.experimental.pallas import tpu as pltpu
from jax.experimental.pallas import tpu_sc as plsc

T_HIST = 50
T_FUT = 60
T_TOT = T_HIST + T_FUT
TWO_T = 2 * T_TOT
D_ENC = 512
MODES6 = 6
HIDDEN = 4096
HALF = HIDDEN // 2
CHUNK = 1024
GRID = HIDDEN // CHUNK
STRIPE = 128
TSUB = 48

_TN = (((0,), (0,)), ((), ()))
_TT = (((0,), (1,)), ((), ()))


def _sc_gather(idx_hbm, pos_hbm, vel_hbm, head_hbm,
               pos_out, vel_out, head_out, idx_s):
    c = lax.axis_index("c")
    pltpu.sync_copy(idx_hbm, idx_s)
    ib = (idx_s[0] // STRIPE) * STRIPE

    @pl.when(c == 0)
    def _gather_x_head():
        pltpu.sync_copy(pos_hbm.at[pl.ds(0, 1), :, pl.ds(ib, STRIPE)],
                        pos_out.at[pl.ds(0, 1)])
        pltpu.sync_copy(head_hbm.at[pl.ds(TSUB, 8), pl.ds(ib, STRIPE)],
                        head_out)

    @pl.when(c == 1)
    def _gather_y_vel():
        pltpu.sync_copy(pos_hbm.at[pl.ds(1, 1), :, pl.ds(ib, STRIPE)],
                        pos_out.at[pl.ds(1, 1)])
        pltpu.sync_copy(
            vel_hbm.at[pl.ds(0, 2), pl.ds(TSUB, 8), pl.ds(ib, STRIPE)],
            vel_out)


def _gather_stripes(idx, pos_t, vel_t, head_t):
    mesh = plsc.ScalarSubcoreMesh(axis_name="c", num_cores=2)
    f32 = jnp.float32
    return pl.kernel(
        _sc_gather,
        out_type=[
            jax.ShapeDtypeStruct((2, T_TOT, STRIPE), f32),
            jax.ShapeDtypeStruct((2, 8, STRIPE), f32),
            jax.ShapeDtypeStruct((8, STRIPE), f32),
        ],
        mesh=mesh,
        scratch_types=[
            pltpu.SMEM((1,), jnp.int32),
        ],
    )(idx, pos_t, vel_t, head_t)


def _policy_kernel(idx_ref, states_ref, pos8_ref, vel8_ref, head8_ref,
                   wenc_ref, wdp_ref, wdh_ref,
                   w1_ref, b1_ref, w2_ref, b2_ref, w3_ref, b3_ref,
                   mean_ref, std_ref, act_s, acc_s):
    g = pl.program_id(0)

    @pl.when(g == 0)
    def _build_action():
        r = jnp.remainder(idx_ref[0], STRIPE)
        lane_p = jax.lax.broadcasted_iota(jnp.int32, (TWO_T, STRIPE), 1)
        cols = jnp.sum(jnp.where(lane_p == r, pos8_ref[...], 0.0),
                       axis=1, keepdims=True)
        x_col = cols[0:T_TOT, :]
        y_col = cols[T_TOT:TWO_T, :]
        lane_v = jax.lax.broadcasted_iota(jnp.int32, (16, STRIPE), 1)
        v49c = jnp.sum(jnp.where(lane_v == r, vel8_ref[...], 0.0),
                       axis=1, keepdims=True)
        lane_h = jax.lax.broadcasted_iota(jnp.int32, (8, STRIPE), 1)
        thc = jnp.sum(jnp.where(lane_h == r, head8_ref[...], 0.0),
                      axis=1, keepdims=True)
        theta = thc[T_HIST - 1 - TSUB, 0]
        ox = x_col[T_HIST - 1, 0]
        oy = y_col[T_HIST - 1, 0]
        v49x = v49c[(T_HIST - 1 - TSUB), 0]
        v49y = v49c[8 + (T_HIST - 1 - TSUB), 0]
        st = states_ref[...]
        st_pad = jnp.pad(st, ((T_HIST, 0), (0, 0)))
        t110 = jax.lax.broadcasted_iota(jnp.int32, (T_TOT, 1), 0)
        fut = t110 >= T_HIST
        x_col = jnp.where(fut, st_pad[:, 0:1], x_col)
        y_col = jnp.where(fut, st_pad[:, 1:2], y_col)
        r220 = jax.lax.broadcasted_iota(jnp.int32, (TWO_T, T_TOT), 0)
        c110 = jax.lax.broadcasted_iota(jnp.int32, (TWO_T, T_TOT), 1)
        px = (r220 == 2 * c110).astype(jnp.float32)
        py = (r220 == 2 * c110 + 1).astype(jnp.float32)
        xy = (jnp.dot(px, x_col, preferred_element_type=jnp.float32)
              + jnp.dot(py, y_col, preferred_element_type=jnp.float32))
        feat = jnp.tanh(jax.lax.dot_general(
            xy, wenc_ref[...], _TN, preferred_element_type=jnp.float32))
        dec = jnp.dot(feat, wdp_ref[...],
                      preferred_element_type=jnp.float32)
        dech = jnp.dot(feat, wdh_ref[...],
                       preferred_element_type=jnp.float32)
        rp = jax.lax.broadcasted_iota(jnp.int32, (MODES6 * T_FUT * 2, T_FUT), 0)
        cp = jax.lax.broadcasted_iota(jnp.int32, (MODES6 * T_FUT * 2, T_FUT), 1)
        sel_x = (rp == 2 * cp).astype(jnp.float32)
        sel_y = (rp == 2 * cp + 1).astype(jnp.float32)
        rh = jax.lax.broadcasted_iota(jnp.int32, (MODES6 * T_FUT, T_FUT), 0)
        ch = jax.lax.broadcasted_iota(jnp.int32, (MODES6 * T_FUT, T_FUT), 1)
        sel_h = (rh == ch).astype(jnp.float32)
        lpx = jax.lax.dot_general(sel_x, dec, _TT,
                                  preferred_element_type=jnp.float32)
        lpy = jax.lax.dot_general(sel_y, dec, _TT,
                                  preferred_element_type=jnp.float32)
        lh = jax.lax.dot_general(sel_h, dech, _TT,
                                 preferred_element_type=jnp.float32)
        c, s = jnp.cos(theta), jnp.sin(theta)
        npx = lpx * c - lpy * s + ox
        npy = lpx * s + lpy * c + oy
        t60 = jax.lax.broadcasted_iota(jnp.int32, (T_FUT, 1), 0)
        z1 = jnp.zeros((1, 1), jnp.float32)
        px_prev = jnp.concatenate([z1, npx[:-1, :]], axis=0)
        py_prev = jnp.concatenate([z1, npy[:-1, :]], axis=0)
        vx = jnp.where(t60 == 0, npx - ox, (npx - px_prev) * 10.0)
        vy = jnp.where(t60 == 0, npy - oy, (npy - py_prev) * 10.0)
        vx_prev = jnp.concatenate([z1, vx[:-1, :]], axis=0)
        vy_prev = jnp.concatenate([z1, vy[:-1, :]], axis=0)
        ax = jnp.where(t60 == 0, vx - v49x, (vx - vx_prev) * 10.0)
        ay = jnp.where(t60 == 0, vy - v49y, (vy - vy_prev) * 10.0)
        two_pi = 2.0 * jnp.pi
        hd = lh + theta
        hd = (hd + jnp.pi) % two_pi - jnp.pi
        act_s[...] = jnp.concatenate([hd, ax, ay], axis=1)
        acc_s[...] = jnp.zeros_like(acc_s)

    hd = act_s[:, 0:1]
    ax = act_s[:, 1:2]
    ay = act_s[:, 2:3]
    h1 = (hd * w1_ref[0:1, :] + ax * w1_ref[1:2, :] + ay * w1_ref[2:3, :]
          + b1_ref[...])
    h1 = jnp.maximum(h1, 0.0)
    acc_s[...] += jnp.dot(h1, w2_ref[...], preferred_element_type=jnp.float32)

    @pl.when(g == GRID - 1)
    def _finalize():
        h2 = acc_s[...] + b2_ref[...]
        y = jnp.dot(h2, w3_ref[...], preferred_element_type=jnp.float32) \
            + b3_ref[...]
        mean_ref[...] = jnp.tanh(y)
        std_ref[...] = jnp.log1p(jnp.exp(-jnp.abs(y))) + jnp.maximum(y, 0.0) \
            + 1e-8


def kernel(states, position, velocity, heading, predict_mask, agent_index,
           W_enc, W_dec_pos, W_dec_head, W1, b1, W2, b2, W3, b3):
    del predict_mask
    idx = jnp.asarray(agent_index, jnp.int32).reshape((1,))
    pos_t = jnp.transpose(position, (2, 1, 0))
    vel_t = jnp.transpose(velocity, (2, 1, 0))
    head_t = jnp.transpose(heading, (1, 0))
    pos8, vel8, head8 = _gather_stripes(idx, pos_t, vel_t, head_t)
    pos8 = pos8.reshape(TWO_T, STRIPE)
    vel8 = vel8.reshape(16, STRIPE)
    b1r = b1.reshape(1, HIDDEN)
    b2r = b2.reshape(1, HALF)
    b3r = b3.reshape(1, 3)

    grid_spec = pltpu.PrefetchScalarGridSpec(
        num_scalar_prefetch=1,
        grid=(GRID,),
        in_specs=[
            pl.BlockSpec((T_FUT, 4), lambda g, i: (0, 0)),
            pl.BlockSpec((TWO_T, STRIPE), lambda g, i: (0, 0)),
            pl.BlockSpec((16, STRIPE), lambda g, i: (0, 0)),
            pl.BlockSpec((8, STRIPE), lambda g, i: (0, 0)),
            pl.BlockSpec((TWO_T, D_ENC), lambda g, i: (0, 0)),
            pl.BlockSpec((D_ENC, MODES6 * T_FUT * 2), lambda g, i: (0, 0)),
            pl.BlockSpec((D_ENC, MODES6 * T_FUT), lambda g, i: (0, 0)),
            pl.BlockSpec((3, CHUNK), lambda g, i: (0, g)),
            pl.BlockSpec((1, CHUNK), lambda g, i: (0, g)),
            pl.BlockSpec((CHUNK, HALF), lambda g, i: (g, 0)),
            pl.BlockSpec((1, HALF), lambda g, i: (0, 0)),
            pl.BlockSpec((HALF, 3), lambda g, i: (0, 0)),
            pl.BlockSpec((1, 3), lambda g, i: (0, 0)),
        ],
        out_specs=[
            pl.BlockSpec((T_FUT, 3), lambda g, i: (0, 0)),
            pl.BlockSpec((T_FUT, 3), lambda g, i: (0, 0)),
        ],
        scratch_shapes=[
            pltpu.VMEM((T_FUT, 3), jnp.float32),
            pltpu.VMEM((T_FUT, HALF), jnp.float32),
        ],
    )
    mean, std = pl.pallas_call(
        _policy_kernel,
        grid_spec=grid_spec,
        out_shape=[
            jax.ShapeDtypeStruct((T_FUT, 3), jnp.float32),
            jax.ShapeDtypeStruct((T_FUT, 3), jnp.float32),
        ],
    )(idx, states, pos8, vel8, head8,
      W_enc, W_dec_pos, W_dec_head,
      W1, b1r, W2, b2r, W3, b3r)
    return (mean, std)

# --- scband reference (transcript-rebuilt; emitter-appended) ---
"""Pipeline reference for scband-policy-87067577024752 (READ-ONLY COPY).

The authoritative reference and input builder live on the scoring server;
editing this copy changes nothing except your own understanding.
"""

import jax, jax.numpy as jnp
import numpy as np

N, T_HIST, T_FUT, MODES, D_ENC = 10000, 50, 60, 6, 512
HIDDEN_DIM, ACTION_DIM = 4096, 3
T_TOT = T_HIST + T_FUT


def wrap_angle(x):
    return (x + jnp.pi) % (2.0 * jnp.pi) - jnp.pi


def setup_inputs(seed: int = 0):
    key = jax.random.key(seed)
    ks = jax.random.split(key, 16)
    states = jax.random.normal(ks[0], (T_FUT, 4), dtype=jnp.float32)
    position = jax.random.normal(ks[1], (N, T_TOT, 3), dtype=jnp.float32)
    velocity = jax.random.normal(ks[2], (N, T_TOT, 3), dtype=jnp.float32)
    heading = jax.random.normal(ks[3], (N, T_TOT), dtype=jnp.float32)
    predict_mask = jnp.ones((N, T_TOT), dtype=bool)
    agent_index = 0
    # encoder / decoder surrogate weights (encoder(data), decoder(data, enc))
    W_enc = jax.random.normal(ks[4], (T_TOT * 2, D_ENC), dtype=jnp.float32) * 0.02
    W_dec_pos = jax.random.normal(ks[5], (D_ENC, MODES * T_FUT * 2), dtype=jnp.float32) * 0.02
    W_dec_head = jax.random.normal(ks[6], (D_ENC, MODES * T_FUT * 1), dtype=jnp.float32) * 0.02
    # Policy.f parameters: Linear(3,4096) -> ReLU -> Linear(4096,2048) -> Linear(2048,3)
    W1 = jax.random.normal(ks[7], (ACTION_DIM, HIDDEN_DIM), dtype=jnp.float32) * 0.02
    b1 = jnp.zeros((HIDDEN_DIM,), dtype=jnp.float32)
    W2 = jax.random.normal(ks[8], (HIDDEN_DIM, HIDDEN_DIM // 2), dtype=jnp.float32) * 0.02
    b2 = jnp.zeros((HIDDEN_DIM // 2,), dtype=jnp.float32)
    W3 = jax.random.normal(ks[9], (HIDDEN_DIM // 2, ACTION_DIM), dtype=jnp.float32) * 0.02
    b3 = jnp.zeros((ACTION_DIM,), dtype=jnp.float32)
    return {"states": states, "position": position, "velocity": velocity,
            "heading": heading, "predict_mask": predict_mask, "agent_index": agent_index,
            "W_enc": W_enc, "W_dec_pos": W_dec_pos, "W_dec_head": W_dec_head,
            "W1": W1, "b1": b1, "W2": W2, "b2": b2, "W3": W3, "b3": b3}


def reference(states, position, velocity, heading, predict_mask, agent_index,
              W_enc, W_dec_pos, W_dec_head, W1, b1, W2, b2, W3, b3):
    n = position.shape[0]
    t_fut = states.shape[0]
    # scatter-overwrite writes into agent memory (the core scatter_memory op)
    position = position.at[agent_index, 50:, :2].set(states[:, :2])
    velocity = velocity.at[agent_index, 50:, :2].set(states[:, 2:])
    # surrogate encoder(data) -> scene features; decoder(data, enc) -> pred dict
    feat = jnp.tanh(position[..., :2].reshape(n, -1) @ W_enc)
    loc_refine_pos = (feat @ W_dec_pos).reshape(n, MODES, t_fut, 2)
    loc_refine_head = (feat @ W_dec_head).reshape(n, MODES, t_fut, 1)
    origin = position[:, 50 - 1]
    theta = heading[:, 50 - 1]
    cos, sin = jnp.cos(theta), jnp.sin(theta)
    rot_mat = jnp.stack([jnp.stack([cos, -sin], axis=-1),
                         jnp.stack([sin, cos], axis=-1)], axis=-2)  # [N,2,2]
    reg_mask = predict_mask[:, 50:]  # computed as in torch, unused downstream
    best_mode = jnp.zeros((n,), dtype=jnp.int32)  # torch.randint(1, ...) == 0
    lp = loc_refine_pos[jnp.arange(n), best_mode]  # gather [N, T_fut, 2]
    new_position = jnp.matmul(lp[..., :2], jnp.swapaxes(rot_mat, -1, -2)) + origin[:, :2][:, None, :]
    new_v = (new_position[:, 1:] - new_position[:, :-1]) / 0.1
    new_v = jnp.concatenate([jnp.zeros((n, 1, 2), dtype=new_v.dtype), new_v], axis=1)
    new_v = new_v.at[:, 0, :].set(new_position[:, 0] - position[:, 49, :2])
    lh = loc_refine_head[jnp.arange(n), best_mode, :]  # [N, T_fut, 1]
    new_heading = wrap_angle(lh + theta[:, None, None])
    new_a = (new_v[:, 1:] - new_v[:, :-1]) / 0.1
    new_a = jnp.concatenate([jnp.zeros((n, 1, 2), dtype=new_a.dtype), new_a], axis=1)
    new_a = new_a.at[:, 0, :].set(new_v[:, 0] - velocity[:, 49, :2])
    action_information = jnp.concatenate([new_heading, new_a], axis=-1)  # [N, T_fut, 3]
    a = action_information[agent_index]  # [T_fut, 3]
    h = jax.nn.relu(a @ W1 + b1)
    h = h @ W2 + b2
    y = h @ W3 + b3
    mean = jnp.tanh(y)
    std = jax.nn.softplus(y) + 1e-08
    return (mean, std)

if __name__ == "__main__":
    import jax
    _d = setup_inputs()
    print(jax.jit(kernel)(*tuple(_d.values())))

</pallas_src>

<mosaic_0001>
#map = affine_map<(d0) -> (0)>
#map1 = affine_map<(d0) -> (0, 0, 0)>
#map2 = affine_map<(d0) -> (0, 0)>
module attributes {stable_mosaic.version = 14 : i64} {
  func.func @_sc_gather(%arg0: i32, %arg1: memref<1xi32, #tpu.memory_space<hbm>>, %arg2: memref<3x110x10000xf32, #tpu.memory_space<hbm>>, %arg3: memref<3x110x10000xf32, #tpu.memory_space<hbm>>, %arg4: memref<110x10000xf32, #tpu.memory_space<hbm>>, %arg5: memref<2x110x128xf32, #tpu.memory_space<hbm>>, %arg6: memref<2x8x128xf32, #tpu.memory_space<hbm>>, %arg7: memref<8x128xf32, #tpu.memory_space<hbm>>, %arg8: memref<1xi32, #tpu.memory_space<smem>>) attributes {dimension_semantics = [#tpu.dimension_semantics<core_parallel>], iteration_bounds = array<i64: 2>, scalar_prefetch = 0 : i64, scratch_operands = 1 : i64, tpu.core_type = #tpu.core_type<sc_scalar_subcore>, window_params = [{transform_indices = #map}, {transform_indices = #map1}, {transform_indices = #map1}, {transform_indices = #map2}, {transform_indices = #map1}, {transform_indices = #map1}, {transform_indices = #map2}]} {
    "tpu.region"() ({
      %run_scoped3A = tpu.sem_alloc : memref<!tpu.dma_semaphore, #tpu.memory_space<semaphore_mem>>
      tpu.enqueue_dma source(%arg1 : memref<1xi32, #tpu.memory_space<hbm>>) target(%arg8 : memref<1xi32, #tpu.memory_space<smem>>) target_semaphore(%run_scoped3A : memref<!tpu.dma_semaphore, #tpu.memory_space<semaphore_mem>>)
      tpu.wait_dma2 semaphore(%run_scoped3A : memref<!tpu.dma_semaphore, #tpu.memory_space<semaphore_mem>>) src(%arg1 : memref<1xi32, #tpu.memory_space<hbm>>) dst(%arg8 : memref<1xi32, #tpu.memory_space<smem>>)
      tpu.yield
    }) : () -> ()
    %get3A = arith.constant 0 : i32
    %get3A_0 = arith.index_cast %get3A : i32 to index
    %get3A_1 = memref.load %arg8[%get3A_0] : memref<1xi32, #tpu.memory_space<smem>>
    %jit3A = arith.constant 128 : i32
    %div3A = arith.divsi %get3A_1, %jit3A : i32
    %sign3A = arith.constant 0 : i32
    %sign3A_2 = arith.cmpi sgt, %get3A_1, %sign3A : i32
    %sign3A_3 = arith.extui %sign3A_2 : i1 to i32
    %sign3A_4 = arith.constant 0 : i32
    %sign3A_5 = arith.cmpi slt, %get3A_1, %sign3A_4 : i32
    %sign3A_6 = arith.extui %sign3A_5 : i1 to i32
    %sign3A_7 = arith.subi %sign3A_3, %sign3A_6 : i32
    %sign3A_8 = arith.constant 0 : i32
    %sign3A_9 = arith.cmpi sgt, %jit3A, %sign3A_8 : i32
    %sign3A_10 = arith.extui %sign3A_9 : i1 to i32
    %sign3A_11 = arith.constant 0 : i32
    %sign3A_12 = arith.cmpi slt, %jit3A, %sign3A_11 : i32
    %sign3A_13 = arith.extui %sign3A_12 : i1 to i32
    %sign3A_14 = arith.subi %sign3A_10, %sign3A_13 : i32
    %ne3A = arith.cmpi ne, %sign3A_7, %sign3A_14 : i32
    %rem3A = arith.remsi %get3A_1, %jit3A : i32
    %ne3A_15 = arith.constant 0 : i32
    %ne3A_16 = arith.cmpi ne, %rem3A, %ne3A_15 : i32
    %and3A = arith.andi %ne3A, %ne3A_16 : i1
    %sub3A = arith.constant 1 : i32
    %sub3A_17 = arith.subi %div3A, %sub3A : i32
    %select_n3A = arith.select %and3A, %sub3A_17, %div3A : i32
    %mul3A = arith.constant 128 : i32
    %mul3A_18 = arith.muli %select_n3A, %mul3A : i32
    %eq3A = arith.constant 0 : i32
    %eq3A_19 = arith.cmpi eq, %arg0, %eq3A : i32
    %convert_element_type3A = arith.extui %eq3A_19 : i1 to i32
    %cond3A = arith.constant 0 : i32
    %cond3A_20 = arith.cmpi ne, %convert_element_type3A, %cond3A : i32
    scf.if %cond3A_20 {
      "tpu.region"() ({
        %run_scoped3A = tpu.sem_alloc : memref<!tpu.dma_semaphore, #tpu.memory_space<semaphore_mem>>
        %dma_start3A = arith.constant 0 : i32
        %dma_start3A_26 = arith.constant 0 : i32
        %dma_start3A_27 = arith.constant 0 : i32
        %dma_start3A_28 = tpu.memref_slice %arg5[%dma_start3A, %dma_start3A_26, %dma_start3A_27] : memref<2x110x128xf32, #tpu.memory_space<hbm>> -> memref<1x110x128xf32, #tpu.memory_space<hbm>>
        %dma_start3A_29 = arith.constant 0 : i32
        %dma_start3A_30 = arith.constant 0 : i32
        %dma_start3A_31 = tpu.memref_slice %arg2[%dma_start3A_29, %dma_start3A_30, %mul3A_18] : memref<3x110x10000xf32, #tpu.memory_space<hbm>> -> memref<1x110x128xf32, #tpu.memory_space<hbm>>
        tpu.enqueue_dma source(%dma_start3A_31 : memref<1x110x128xf32, #tpu.memory_space<hbm>>) target(%dma_start3A_28 : memref<1x110x128xf32, #tpu.memory_space<hbm>>) target_semaphore(%run_scoped3A : memref<!tpu.dma_semaphore, #tpu.memory_space<semaphore_mem>>)
        %dma_wait3A = arith.constant 0 : i32
        %dma_wait3A_32 = arith.constant 0 : i32
        %dma_wait3A_33 = arith.constant 0 : i32
        %dma_wait3A_34 = tpu.memref_slice %arg5[%dma_wait3A, %dma_wait3A_32, %dma_wait3A_33] : memref<2x110x128xf32, #tpu.memory_space<hbm>> -> memref<1x110x128xf32, #tpu.memory_space<hbm>>
        %dma_wait3A_35 = arith.constant 0 : i32
        %dma_wait3A_36 = arith.constant 0 : i32
        %dma_wait3A_37 = tpu.memref_slice %arg2[%dma_wait3A_35, %dma_wait3A_36, %mul3A_18] : memref<3x110x10000xf32, #tpu.memory_space<hbm>> -> memref<1x110x128xf32, #tpu.memory_space<hbm>>
        tpu.wait_dma2 semaphore(%run_scoped3A : memref<!tpu.dma_semaphore, #tpu.memory_space<semaphore_mem>>) src(%dma_wait3A_37 : memref<1x110x128xf32, #tpu.memory_space<hbm>>) dst(%dma_wait3A_34 : memref<1x110x128xf32, #tpu.memory_space<hbm>>)
        tpu.yield
      }) : () -> ()
      "tpu.region"() ({
        %run_scoped3A = tpu.sem_alloc : memref<!tpu.dma_semaphore, #tpu.memory_space<semaphore_mem>>
        %dma_start3A = arith.constant 48 : i32
        %dma_start3A_26 = tpu.memref_slice %arg4[%dma_start3A, %mul3A_18] : memref<110x10000xf32, #tpu.memory_space<hbm>> -> memref<8x128xf32, #tpu.memory_space<hbm>>
        tpu.enqueue_dma source(%dma_start3A_26 : memref<8x128xf32, #tpu.memory_space<hbm>>) target(%arg7 : memref<8x128xf32, #tpu.memory_space<hbm>>) target_semaphore(%run_scoped3A : memref<!tpu.dma_semaphore, #tpu.memory_space<semaphore_mem>>)
        %dma_wait3A = arith.constant 48 : i32
        %dma_wait3A_27 = tpu.memref_slice %arg4[%dma_wait3A, %mul3A_18] : memref<110x10000xf32, #tpu.memory_space<hbm>> -> memref<8x128xf32, #tpu.memory_space<hbm>>
        tpu.wait_dma2 semaphore(%run_scoped3A : memref<!tpu.dma_semaphore, #tpu.memory_space<semaphore_mem>>) src(%dma_wait3A_27 : memref<8x128xf32, #tpu.memory_space<hbm>>) dst(%arg7 : memref<8x128xf32, #tpu.memory_space<hbm>>)
        tpu.yield
      }) : () -> ()
    } else {
    }
    %eq3A_21 = arith.constant 1 : i32
    %eq3A_22 = arith.cmpi eq, %arg0, %eq3A_21 : i32
    %convert_element_type3A_23 = arith.extui %eq3A_22 : i1 to i32
    %cond3A_24 = arith.constant 0 : i32
    %cond3A_25 = arith.cmpi ne, %convert_element_type3A_23, %cond3A_24 : i32
    scf.if %cond3A_25 {
      "tpu.region"() ({
        %run_scoped3A = tpu.sem_alloc : memref<!tpu.dma_semaphore, #tpu.memory_space<semaphore_mem>>
        %dma_start3A = arith.constant 1 : i32
        %dma_start3A_26 = arith.constant 0 : i32
        %dma_start3A_27 = arith.constant 0 : i32
        %dma_start3A_28 = tpu.memref_slice %arg5[%dma_start3A, %dma_start3A_26, %dma_start3A_27] : memref<2x110x128xf32, #tpu.memory_space<hbm>> -> memref<1x110x128xf32, #tpu.memory_space<hbm>>
        %dma_start3A_29 = arith.constant 1 : i32
        %dma_start3A_30 = arith.constant 0 : i32
        %dma_start3A_31 = tpu.memref_slice %arg2[%dma_start3A_29, %dma_start3A_30, %mul3A_18] : memref<3x110x10000xf32, #tpu.memory_space<hbm>> -> memref<1x110x128xf32, #tpu.memory_space<hbm>>
        tpu.enqueue_dma source(%dma_start3A_31 : memref<1x110x128xf32, #tpu.memory_space<hbm>>) target(%dma_start3A_28 : memref<1x110x128xf32, #tpu.memory_space<hbm>>) target_semaphore(%run_scoped3A : memref<!tpu.dma_semaphore, #tpu.memory_space<semaphore_mem>>)
        %dma_wait3A = arith.constant 1 : i32
        %dma_wait3A_32 = arith.constant 0 : i32
        %dma_wait3A_33 = arith.constant 0 : i32
        %dma_wait3A_34 = tpu.memref_slice %arg5[%dma_wait3A, %dma_wait3A_32, %dma_wait3A_33] : memref<2x110x128xf32, #tpu.memory_space<hbm>> -> memref<1x110x128xf32, #tpu.memory_space<hbm>>
        %dma_wait3A_35 = arith.constant 1 : i32
        %dma_wait3A_36 = arith.constant 0 : i32
        %dma_wait3A_37 = tpu.memref_slice %arg2[%dma_wait3A_35, %dma_wait3A_36, %mul3A_18] : memref<3x110x10000xf32, #tpu.memory_space<hbm>> -> memref<1x110x128xf32, #tpu.memory_space<hbm>>
        tpu.wait_dma2 semaphore(%run_scoped3A : memref<!tpu.dma_semaphore, #tpu.memory_space<semaphore_mem>>) src(%dma_wait3A_37 : memref<1x110x128xf32, #tpu.memory_space<hbm>>) dst(%dma_wait3A_34 : memref<1x110x128xf32, #tpu.memory_space<hbm>>)
        tpu.yield
      }) : () -> ()
      "tpu.region"() ({
        %run_scoped3A = tpu.sem_alloc : memref<!tpu.dma_semaphore, #tpu.memory_space<semaphore_mem>>
        %dma_start3A = arith.constant 0 : i32
        %dma_start3A_26 = arith.constant 48 : i32
        %dma_start3A_27 = tpu.memref_slice %arg3[%dma_start3A, %dma_start3A_26, %mul3A_18] : memref<3x110x10000xf32, #tpu.memory_space<hbm>> -> memref<2x8x128xf32, #tpu.memory_space<hbm>>
        tpu.enqueue_dma source(%dma_start3A_27 : memref<2x8x128xf32, #tpu.memory_space<hbm>>) target(%arg6 : memref<2x8x128xf32, #tpu.memory_space<hbm>>) target_semaphore(%run_scoped3A : memref<!tpu.dma_semaphore, #tpu.memory_space<semaphore_mem>>)
        %dma_wait3A = arith.constant 0 : i32
        %dma_wait3A_28 = arith.constant 48 : i32
        %dma_wait3A_29 = tpu.memref_slice %arg3[%dma_wait3A, %dma_wait3A_28, %mul3A_18] : memref<3x110x10000xf32, #tpu.memory_space<hbm>> -> memref<2x8x128xf32, #tpu.memory_space<hbm>>
        tpu.wait_dma2 semaphore(%run_scoped3A : memref<!tpu.dma_semaphore, #tpu.memory_space<semaphore_mem>>) src(%dma_wait3A_29 : memref<2x8x128xf32, #tpu.memory_space<hbm>>) dst(%arg6 : memref<2x8x128xf32, #tpu.memory_space<hbm>>)
        tpu.yield
      }) : () -> ()
    } else {
    }
    return
  }
}

module attributes {stable_mosaic.version = 14 : i64} {
  func.func @_policy_kernel(%arg0: i32, %arg1: memref<1xi32, #tpu.memory_space<smem>>, %arg2: memref<60x4xf32, #tpu.memory_space<vmem>>, %arg3: memref<220x128xf32, #tpu.memory_space<vmem>>, %arg4: memref<16x128xf32, #tpu.memory_space<vmem>>, %arg5: memref<8x128xf32, #tpu.memory_space<vmem>>, %arg6: memref<220x512xf32, #tpu.memory_space<vmem>>, %arg7: memref<512x720xf32, #tpu.memory_space<vmem>>, %arg8: memref<512x360xf32, #tpu.memory_space<vmem>>, %arg9: memref<3x1024xf32, #tpu.memory_space<vmem>>, %arg10: memref<1x1024xf32, #tpu.memory_space<vmem>>, %arg11: memref<1024x2048xf32, #tpu.memory_space<vmem>>, %arg12: memref<1x2048xf32, #tpu.memory_space<vmem>>, %arg13: memref<2048x3xf32, #tpu.memory_space<vmem>>, %arg14: memref<1x3xf32, #tpu.memory_space<vmem>>, %arg15: memref<60x3xf32, #tpu.memory_space<vmem>>, %arg16: memref<60x3xf32, #tpu.memory_space<vmem>>, %arg17: memref<60x3xf32, #tpu.memory_space<vmem>>, %arg18: memref<60x2048xf32, #tpu.memory_space<vmem>>) attributes {dimension_semantics = [#tpu.dimension_semantics<arbitrary>], iteration_bounds = array<i64: 4>, scalar_prefetch = 1 : i64, scratch_operands = 2 : i64, tpu.core_type = #tpu.core_type<tc>, window_params = [{pipeline_mode = #tpu.pipeline_mode<synchronous>, transform_indices = @transform_0, window_bounds = array<i64: 60, 4>}, {pipeline_mode = #tpu.pipeline_mode<synchronous>, transform_indices = @transform_1, window_bounds = array<i64: 220, 128>}, {pipeline_mode = #tpu.pipeline_mode<synchronous>, transform_indices = @transform_2, window_bounds = array<i64: 16, 128>}, {pipeline_mode = #tpu.pipeline_mode<synchronous>, transform_indices = @transform_3, window_bounds = array<i64: 8, 128>}, {pipeline_mode = #tpu.pipeline_mode<synchronous>, transform_indices = @transform_4, window_bounds = array<i64: 220, 512>}, {pipeline_mode = #tpu.pipeline_mode<synchronous>, transform_indices = @transform_5, window_bounds = array<i64: 512, 720>}, {pipeline_mode = #tpu.pipeline_mode<synchronous>, transform_indices = @transform_6, window_bounds = array<i64: 512, 360>}, {transform_indices = @transform_7, window_bounds = array<i64: 3, 1024>}, {transform_indices = @transform_8, window_bounds = array<i64: 1, 1024>}, {transform_indices = @transform_9, window_bounds = array<i64: 1024, 2048>}, {pipeline_mode = #tpu.pipeline_mode<synchronous>, transform_indices = @transform_10, window_bounds = array<i64: 1, 2048>}, {pipeline_mode = #tpu.pipeline_mode<synchronous>, transform_indices = @transform_11, window_bounds = array<i64: 2048, 3>}, {pipeline_mode = #tpu.pipeline_mode<synchronous>, transform_indices = @transform_12, window_bounds = array<i64: 1, 3>}, {pipeline_mode = #tpu.pipeline_mode<synchronous>, transform_indices = @transform_13, window_bounds = array<i64: 60, 3>}, {pipeline_mode = #tpu.pipeline_mode<synchronous>, transform_indices = @transform_14, window_bounds = array<i64: 60, 3>}]} {
    %eq3A = arith.constant 0 : i32
    %eq3A_0 = arith.cmpi eq, %arg0, %eq3A : i32
    %convert_element_type3A = arith.extui %eq3A_0 : i1 to i32
    %cond3A = arith.constant 0 : i32
    %cond3A_1 = arith.cmpi ne, %convert_element_type3A, %cond3A : i32
    scf.if %cond3A_1 {
      %get3A_50 = arith.constant 0 : index
      %get3A_51 = memref.load %arg1[%get3A_50] : memref<1xi32, #tpu.memory_space<smem>>
      %jit3A = arith.constant 128 : i32
      %eq3A_52 = arith.constant 0 : i32
      %eq3A_53 = arith.cmpi eq, %jit3A, %eq3A_52 : i32
      %jit3A_54 = arith.constant 1 : i32
      %select_n3A = arith.select %eq3A_53, %jit3A_54, %jit3A : i32
      %rem3A = arith.remsi %get3A_51, %select_n3A : i32
      %ne3A = arith.constant 0 : i32
      %ne3A_55 = arith.cmpi ne, %rem3A, %ne3A : i32
      %lt3A = arith.constant 0 : i32
      %lt3A_56 = arith.cmpi slt, %rem3A, %lt3A : i32
      %lt3A_57 = arith.constant 0 : i32
      %lt3A_58 = arith.cmpi slt, %select_n3A, %lt3A_57 : i32
      %ne3A_59 = arith.xori %lt3A_56, %lt3A_58 : i1
      %and3A = arith.andi %ne3A_59, %ne3A_55 : i1
      %add3A_60 = arith.addi %rem3A, %select_n3A : i32
      %select_n3A_61 = arith.select %and3A, %add3A_60, %rem3A : i32
      %iota3A = tpu.iota {dimensions = array<i32: 1>} : vector<220x128xi32>
      %eq3A_62 = vector.broadcast %select_n3A_61 : i32 to vector<220x128xi32>
      %eq3A_63 = arith.cmpi eq, %iota3A, %eq3A_62 : vector<220x128xi32>
      %get3A_64 = arith.constant 0 : index
      %get3A_65 = arith.constant 0 : index
      %get3A_66 = vector.load %arg3[%get3A_64, %get3A_65] : memref<220x128xf32, #tpu.memory_space<vmem>>, vector<220x128xf32>
      %jit3A_67 = arith.constant 0.000000e+00 : f32
      %broadcast_in_dim3A = vector.broadcast %jit3A_67 : f32 to vector<220x128xf32>
      %select_n3A_68 = arith.select %eq3A_63, %get3A_66, %broadcast_in_dim3A : vector<220x128xi1>, vector<220x128xf32>
      %reduce_sum3A = arith.constant dense<0.000000e+00> : vector<220xf32>
      %reduce_sum3A_69 = vector.multi_reduction <add>, %select_n3A_68, %reduce_sum3A [1] : vector<220x128xf32> to vector<220xf32>
      %broadcast_in_dim3A_70 = vector.shape_cast %reduce_sum3A_69 : vector<220xf32> to vector<220x1xf32>
      %slice3A = vector.extract_strided_slice %broadcast_in_dim3A_70 {offsets = [0, 0], sizes = [110, 1], strides = [1, 1]} : vector<220x1xf32> to vector<110x1xf32>
      %slice3A_71 = vector.extract_strided_slice %broadcast_in_dim3A_70 {offsets = [110, 0], sizes = [110, 1], strides = [1, 1]} : vector<220x1xf32> to vector<110x1xf32>
      %iota3A_72 = tpu.iota {dimensions = array<i32: 1>} : vector<16x128xi32>
      %eq3A_73 = vector.broadcast %select_n3A_61 : i32 to vector<16x128xi32>
      %eq3A_74 = arith.cmpi eq, %iota3A_72, %eq3A_73 : vector<16x128xi32>
      %get3A_75 = arith.constant 0 : index
      %get3A_76 = arith.constant 0 : index
      %get3A_77 = vector.load %arg4[%get3A_75, %get3A_76] : memref<16x128xf32, #tpu.memory_space<vmem>>, vector<16x128xf32>
      %jit3A_78 = arith.constant 0.000000e+00 : f32
      %broadcast_in_dim3A_79 = vector.broadcast %jit3A_78 : f32 to vector<16x128xf32>
      %select_n3A_80 = arith.select %eq3A_74, %get3A_77, %broadcast_in_dim3A_79 : vector<16x128xi1>, vector<16x128xf32>
      %reduce_sum3A_81 = arith.constant dense<0.000000e+00> : vector<16xf32>
      %reduce_sum3A_82 = vector.multi_reduction <add>, %select_n3A_80, %reduce_sum3A_81 [1] : vector<16x128xf32> to vector<16xf32>
      %broadcast_in_dim3A_83 = vector.shape_cast %reduce_sum3A_82 : vector<16xf32> to vector<16x1xf32>
      %iota3A_84 = tpu.iota {dimensions = array<i32: 1>} : vector<8x128xi32>
      %eq3A_85 = vector.broadcast %select_n3A_61 : i32 to vector<8x128xi32>
      %eq3A_86 = arith.cmpi eq, %iota3A_84, %eq3A_85 : vector<8x128xi32>
      %get3A_87 = arith.constant 0 : index
      %get3A_88 = arith.constant 0 : index
      %get3A_89 = vector.load %arg5[%get3A_87, %get3A_88] : memref<8x128xf32, #tpu.memory_space<vmem>>, vector<8x128xf32>
      %jit3A_90 = arith.constant 0.000000e+00 : f32
      %broadcast_in_dim3A_91 = vector.broadcast %jit3A_90 : f32 to vector<8x128xf32>
      %select_n3A_92 = arith.select %eq3A_86, %get3A_89, %broadcast_in_dim3A_91 : vector<8x128xi1>, vector<8x128xf32>
      %reduce_sum3A_93 = arith.constant dense<0.000000e+00> : vector<8xf32>
      %reduce_sum3A_94 = vector.multi_reduction <add>, %select_n3A_92, %reduce_sum3A_93 [1] : vector<8x128xf32> to vector<8xf32>
      %broadcast_in_dim3A_95 = vector.shape_cast %reduce_sum3A_94 : vector<8xf32> to vector<8x1xf32>
      %slice3A_96 = vector.extract_strided_slice %broadcast_in_dim3A_95 {offsets = [1, 0], sizes = [1, 1], strides = [1, 1]} : vector<8x1xf32> to vector<1x1xf32>
      %squeeze3A = vector.extract %slice3A_96[0, 0] : f32 from vector<1x1xf32>
      %slice3A_97 = vector.extract_strided_slice %slice3A {offsets = [49, 0], sizes = [1, 1], strides = [1, 1]} : vector<110x1xf32> to vector<1x1xf32>
      %squeeze3A_98 = vector.extract %slice3A_97[0, 0] : f32 from vector<1x1xf32>
      %slice3A_99 = vector.extract_strided_slice %slice3A_71 {offsets = [49, 0], sizes = [1, 1], strides = [1, 1]} : vector<110x1xf32> to vector<1x1xf32>
      %squeeze3A_100 = vector.extract %slice3A_99[0, 0] : f32 from vector<1x1xf32>
      %slice3A_101 = vector.extract_strided_slice %broadcast_in_dim3A_83 {offsets = [1, 0], sizes = [1, 1], strides = [1, 1]} : vector<16x1xf32> to vector<1x1xf32>
      %squeeze3A_102 = vector.extract %slice3A_101[0, 0] : f32 from vector<1x1xf32>
      %slice3A_103 = vector.extract_strided_slice %broadcast_in_dim3A_83 {offsets = [9, 0], sizes = [1, 1], strides = [1, 1]} : vector<16x1xf32> to vector<1x1xf32>
      %squeeze3A_104 = vector.extract %slice3A_103[0, 0] : f32 from vector<1x1xf32>
      %get3A_105 = arith.constant 0 : index
      %get3A_106 = arith.constant 0 : index
      %get3A_107 = vector.load %arg2[%get3A_105, %get3A_106] : memref<60x4xf32, #tpu.memory_space<vmem>>, vector<60x4xf32>
      %jit3A_108 = arith.constant 0 : i32
      %convert_element_type3A_109 = arith.sitofp %jit3A_108 : i32 to f32
      %pad3A = vector.broadcast %convert_element_type3A_109 : f32 to vector<50x4xf32>
      %pad3A_110 = tpu.concatenate %pad3A, %get3A_107 in 0 : vector<50x4xf32>, vector<60x4xf32> -> vector<110x4xf32>
      %iota3A_111 = tpu.iota {dimensions = array<i32: 0>} : vector<110x1xi32>
      %ge3A = arith.constant 50 : i32
      %ge3A_112 = vector.broadcast %ge3A : i32 to vector<110x1xi32>
      %ge3A_113 = arith.cmpi sge, %iota3A_111, %ge3A_112 : vector<110x1xi32>
      %slice3A_114 = vector.extract_strided_slice %pad3A_110 {offsets = [0, 0], sizes = [110, 1], strides = [1, 1]} : vector<110x4xf32> to vector<110x1xf32>
      %select_n3A_115 = arith.select %ge3A_113, %slice3A_114, %slice3A : vector<110x1xi1>, vector<110x1xf32>
      %slice3A_116 = vector.extract_strided_slice %pad3A_110 {offsets = [0, 1], sizes = [110, 1], strides = [1, 1]} : vector<110x4xf32> to vector<110x1xf32>
      %select_n3A_117 = arith.select %ge3A_113, %slice3A_116, %slice3A_71 : vector<110x1xi1>, vector<110x1xf32>
      %iota3A_118 = tpu.iota {dimensions = array<i32: 0>} : vector<220x110xi32>
      %iota3A_119 = tpu.iota {dimensions = array<i32: 1>} : vector<220x110xi32>
      %mul3A_120 = arith.constant 2 : i32
      %mul3A_121 = vector.broadcast %mul3A_120 : i32 to vector<220x110xi32>
      %mul3A_122 = arith.muli %mul3A_121, %iota3A_119 : vector<220x110xi32>
      %eq3A_123 = arith.cmpi eq, %iota3A_118, %mul3A_122 : vector<220x110xi32>
      %convert_element_type3A_124 = arith.extui %eq3A_123 : vector<220x110xi1> to vector<220x110xi32>
      %convert_element_type3A_125 = arith.sitofp %convert_element_type3A_124 : vector<220x110xi32> to vector<220x110xf32>
      %mul3A_126 = arith.constant 2 : i32
      %mul3A_127 = vector.broadcast %mul3A_126 : i32 to vector<220x110xi32>
      %mul3A_128 = arith.muli %mul3A_127, %iota3A_119 : vector<220x110xi32>
      %add3A_129 = arith.constant 1 : i32
      %add3A_130 = vector.broadcast %add3A_129 : i32 to vector<220x110xi32>
      %add3A_131 = arith.addi %mul3A_128, %add3A_130 : vector<220x110xi32>
      %eq3A_132 = arith.cmpi eq, %iota3A_118, %add3A_131 : vector<220x110xi32>
      %convert_element_type3A_133 = arith.extui %eq3A_132 : vector<220x110xi1> to vector<220x110xi32>
      %convert_element_type3A_134 = arith.sitofp %convert_element_type3A_133 : vector<220x110xi32> to vector<220x110xf32>
      %dot_general3A_135 = arith.constant dense<0.000000e+00> : vector<220x1xf32>
      %dot_general3A_136 = tpu.matmul %convert_element_type3A_125, %select_n3A_115, %dot_general3A_135 {dimension_numbers = #tpu.dot_dimension_numbers<[1], [0], [0], [1], [0, 0, 1, 1], [], []>, transpose_lhs_hint = false} : vector<220x110xf32>, vector<110x1xf32>, vector<220x1xf32> -> vector<220x1xf32>
      %dot_general3A_137 = arith.constant dense<0.000000e+00> : vector<220x1xf32>
      %dot_general3A_138 = tpu.matmul %convert_element_type3A_134, %select_n3A_117, %dot_general3A_137 {dimension_numbers = #tpu.dot_dimension_numbers<[1], [0], [0], [1], [0, 0, 1, 1], [], []>, transpose_lhs_hint = false} : vector<220x110xf32>, vector<110x1xf32>, vector<220x1xf32> -> vector<220x1xf32>
      %add3A_139 = arith.addf %dot_general3A_136, %dot_general3A_138 : vector<220x1xf32>
      %get3A_140 = arith.constant 0 : index
      %get3A_141 = arith.constant 0 : index
      %get3A_142 = vector.load %arg6[%get3A_140, %get3A_141] : memref<220x512xf32, #tpu.memory_space<vmem>>, vector<220x512xf32>
      %dot_general3A_143 = arith.constant dense<0.000000e+00> : vector<1x512xf32>
      %dot_general3A_144 = tpu.matmul %add3A_139, %get3A_142, %dot_general3A_143 {dimension_numbers = #tpu.dot_dimension_numbers<[0], [0], [1], [1], [0, 1, 1, 1], [], []>, transpose_lhs_hint = false} : vector<220x1xf32>, vector<220x512xf32>, vector<1x512xf32> -> vector<1x512xf32>
      %tanh3A = math.tanh %dot_general3A_144 : vector<1x512xf32>
      %get3A_145 = arith.constant 0 : index
      %get3A_146 = arith.constant 0 : index
      %get3A_147 = vector.load %arg7[%get3A_145, %get3A_146] : memref<512x720xf32, #tpu.memory_space<vmem>>, vector<512x720xf32>
      %dot_general3A_148 = arith.constant dense<0.000000e+00> : vector<1x720xf32>
      %dot_general3A_149 = tpu.matmul %tanh3A, %get3A_147, %dot_general3A_148 {dimension_numbers = #tpu.dot_dimension_numbers<[1], [0], [0], [1], [0, 0, 1, 1], [], []>, transpose_lhs_hint = false} : vector<1x512xf32>, vector<512x720xf32>, vector<1x720xf32> -> vector<1x720xf32>
      %get3A_150 = arith.constant 0 : index
      %get3A_151 = arith.constant 0 : index
      %get3A_152 = vector.load %arg8[%get3A_150, %get3A_151] : memref<512x360xf32, #tpu.memory_space<vmem>>, vector<512x360xf32>
      %dot_general3A_153 = arith.constant dense<0.000000e+00> : vector<1x360xf32>
      %dot_general3A_154 = tpu.matmul %tanh3A, %get3A_152, %dot_general3A_153 {dimension_numbers = #tpu.dot_dimension_numbers<[1], [0], [0], [1], [0, 0, 1, 1], [], []>, transpose_lhs_hint = false} : vector<1x512xf32>, vector<512x360xf32>, vector<1x360xf32> -> vector<1x360xf32>
      %iota3A_155 = tpu.iota {dimensions = array<i32: 0>} : vector<720x60xi32>
      %iota3A_156 = tpu.iota {dimensions = array<i32: 1>} : vector<720x60xi32>
      %mul3A_157 = arith.constant 2 : i32
      %mul3A_158 = vector.broadcast %mul3A_157 : i32 to vector<720x60xi32>
      %mul3A_159 = arith.muli %mul3A_158, %iota3A_156 : vector<720x60xi32>
      %eq3A_160 = arith.cmpi eq, %iota3A_155, %mul3A_159 : vector<720x60xi32>
      %convert_element_type3A_161 = arith.extui %eq3A_160 : vector<720x60xi1> to vector<720x60xi32>
      %convert_element_type3A_162 = arith.sitofp %convert_element_type3A_161 : vector<720x60xi32> to vector<720x60xf32>
      %mul3A_163 = arith.constant 2 : i32
      %mul3A_164 = vector.broadcast %mul3A_163 : i32 to vector<720x60xi32>
      %mul3A_165 = arith.muli %mul3A_164, %iota3A_156 : vector<720x60xi32>
      %add3A_166 = arith.constant 1 : i32
      %add3A_167 = vector.broadcast %add3A_166 : i32 to vector<720x60xi32>
      %add3A_168 = arith.addi %mul3A_165, %add3A_167 : vector<720x60xi32>
      %eq3A_169 = arith.cmpi eq, %iota3A_155, %add3A_168 : vector<720x60xi32>
      %convert_element_type3A_170 = arith.extui %eq3A_169 : vector<720x60xi1> to vector<720x60xi32>
      %convert_element_type3A_171 = arith.sitofp %convert_element_type3A_170 : vector<720x60xi32> to vector<720x60xf32>
      %iota3A_172 = tpu.iota {dimensions = array<i32: 0>} : vector<360x60xi32>
      %iota3A_173 = tpu.iota {dimensions = array<i32: 1>} : vector<360x60xi32>
      %eq3A_174 = arith.cmpi eq, %iota3A_172, %iota3A_173 : vector<360x60xi32>
      %convert_element_type3A_175 = arith.extui %eq3A_174 : vector<360x60xi1> to vector<360x60xi32>
      %convert_element_type3A_176 = arith.sitofp %convert_element_type3A_175 : vector<360x60xi32> to vector<360x60xf32>
      %dot_general3A_177 = arith.constant dense<0.000000e+00> : vector<60x1xf32>
      %dot_general3A_178 = tpu.matmul %convert_element_type3A_162, %dot_general3A_149, %dot_general3A_177 {dimension_numbers = #tpu.dot_dimension_numbers<[0], [1], [1], [0], [0, 1, 1, 0], [], []>, transpose_lhs_hint = false} : vector<720x60xf32>, vector<1x720xf32>, vector<60x1xf32> -> vector<60x1xf32>
      %dot_general3A_179 = arith.constant dense<0.000000e+00> : vector<60x1xf32>
      %dot_general3A_180 = tpu.matmul %convert_element_type3A_171, %dot_general3A_149, %dot_general3A_179 {dimension_numbers = #tpu.dot_dimension_numbers<[0], [1], [1], [0], [0, 1, 1, 0], [], []>, transpose_lhs_hint = false} : vector<720x60xf32>, vector<1x720xf32>, vector<60x1xf32> -> vector<60x1xf32>
      %dot_general3A_181 = arith.constant dense<0.000000e+00> : vector<60x1xf32>
      %dot_general3A_182 = tpu.matmul %convert_element_type3A_176, %dot_general3A_154, %dot_general3A_181 {dimension_numbers = #tpu.dot_dimension_numbers<[0], [1], [1], [0], [0, 1, 1, 0], [], []>, transpose_lhs_hint = false} : vector<360x60xf32>, vector<1x360xf32>, vector<60x1xf32> -> vector<60x1xf32>
      %cos3A = math.cos %squeeze3A : f32
      %sin3A = math.sin %squeeze3A : f32
      %mul3A_183 = vector.broadcast %cos3A : f32 to vector<60x1xf32>
      %mul3A_184 = arith.mulf %dot_general3A_178, %mul3A_183 : vector<60x1xf32>
      %mul3A_185 = vector.broadcast %sin3A : f32 to vector<60x1xf32>
      %mul3A_186 = arith.mulf %dot_general3A_180, %mul3A_185 : vector<60x1xf32>
      %sub3A = arith.subf %mul3A_184, %mul3A_186 : vector<60x1xf32>
      %add3A_187 = vector.broadcast %squeeze3A_98 : f32 to vector<60x1xf32>
      %add3A_188 = arith.addf %sub3A, %add3A_187 : vector<60x1xf32>
      %mul3A_189 = vector.broadcast %sin3A : f32 to vector<60x1xf32>
      %mul3A_190 = arith.mulf %dot_general3A_178, %mul3A_189 : vector<60x1xf32>
      %mul3A_191 = vector.broadcast %cos3A : f32 to vector<60x1xf32>
      %mul3A_192 = arith.mulf %dot_general3A_180, %mul3A_191 : vector<60x1xf32>
      %add3A_193 = arith.addf %mul3A_190, %mul3A_192 : vector<60x1xf32>
      %add3A_194 = vector.broadcast %squeeze3A_100 : f32 to vector<60x1xf32>
      %add3A_195 = arith.addf %add3A_193, %add3A_194 : vector<60x1xf32>
      %iota3A_196 = tpu.iota {dimensions = array<i32: 0>} : vector<60x1xi32>
      %broadcast_in_dim3A_197 = arith.constant 0.000000e+00 : f32
      %broadcast_in_dim3A_198 = vector.broadcast %broadcast_in_dim3A_197 : f32 to vector<1x1xf32>
      %slice3A_199 = vector.extract_strided_slice %add3A_188 {offsets = [0, 0], sizes = [59, 1], strides = [1, 1]} : vector<60x1xf32> to vector<59x1xf32>
      %concatenate3A = tpu.concatenate %broadcast_in_dim3A_198, %slice3A_199 in 0 : vector<1x1xf32>, vector<59x1xf32> -> vector<60x1xf32>
      %slice3A_200 = vector.extract_strided_slice %add3A_195 {offsets = [0, 0], sizes = [59, 1], strides = [1, 1]} : vector<60x1xf32> to vector<59x1xf32>
      %concatenate3A_201 = tpu.concatenate %broadcast_in_dim3A_198, %slice3A_200 in 0 : vector<1x1xf32>, vector<59x1xf32> -> vector<60x1xf32>
      %eq3A_202 = arith.constant 0 : i32
      %eq3A_203 = vector.broadcast %eq3A_202 : i32 to vector<60x1xi32>
      %eq3A_204 = arith.cmpi eq, %iota3A_196, %eq3A_203 : vector<60x1xi32>
      %sub3A_205 = vector.broadcast %squeeze3A_98 : f32 to vector<60x1xf32>
      %sub3A_206 = arith.subf %add3A_188, %sub3A_205 : vector<60x1xf32>
      %sub3A_207 = arith.subf %add3A_188, %concatenate3A : vector<60x1xf32>
      %mul3A_208 = arith.constant 1.000000e+01 : f32
      %mul3A_209 = vector.broadcast %mul3A_208 : f32 to vector<60x1xf32>
      %mul3A_210 = arith.mulf %sub3A_207, %mul3A_209 : vector<60x1xf32>
      %select_n3A_211 = arith.select %eq3A_204, %sub3A_206, %mul3A_210 : vector<60x1xi1>, vector<60x1xf32>
      %eq3A_212 = arith.constant 0 : i32
      %eq3A_213 = vector.broadcast %eq3A_212 : i32 to vector<60x1xi32>
      %eq3A_214 = arith.cmpi eq, %iota3A_196, %eq3A_213 : vector<60x1xi32>
      %sub3A_215 = vector.broadcast %squeeze3A_100 : f32 to vector<60x1xf32>
      %sub3A_216 = arith.subf %add3A_195, %sub3A_215 : vector<60x1xf32>
      %sub3A_217 = arith.subf %add3A_195, %concatenate3A_201 : vector<60x1xf32>
      %mul3A_218 = arith.constant 1.000000e+01 : f32
      %mul3A_219 = vector.broadcast %mul3A_218 : f32 to vector<60x1xf32>
      %mul3A_220 = arith.mulf %sub3A_217, %mul3A_219 : vector<60x1xf32>
      %select_n3A_221 = arith.select %eq3A_214, %sub3A_216, %mul3A_220 : vector<60x1xi1>, vector<60x1xf32>
      %slice3A_222 = vector.extract_strided_slice %select_n3A_211 {offsets = [0, 0], sizes = [59, 1], strides = [1, 1]} : vector<60x1xf32> to vector<59x1xf32>
      %concatenate3A_223 = tpu.concatenate %broadcast_in_dim3A_198, %slice3A_222 in 0 : vector<1x1xf32>, vector<59x1xf32> -> vector<60x1xf32>
      %slice3A_224 = vector.extract_strided_slice %select_n3A_221 {offsets = [0, 0], sizes = [59, 1], strides = [1, 1]} : vector<60x1xf32> to vector<59x1xf32>
      %concatenate3A_225 = tpu.concatenate %broadcast_in_dim3A_198, %slice3A_224 in 0 : vector<1x1xf32>, vector<59x1xf32> -> vector<60x1xf32>
      %eq3A_226 = arith.constant 0 : i32
      %eq3A_227 = vector.broadcast %eq3A_226 : i32 to vector<60x1xi32>
      %eq3A_228 = arith.cmpi eq, %iota3A_196, %eq3A_227 : vector<60x1xi32>
      %sub3A_229 = vector.broadcast %squeeze3A_102 : f32 to vector<60x1xf32>
      %sub3A_230 = arith.subf %select_n3A_211, %sub3A_229 : vector<60x1xf32>
      %sub3A_231 = arith.subf %select_n3A_211, %concatenate3A_223 : vector<60x1xf32>
      %mul3A_232 = arith.constant 1.000000e+01 : f32
      %mul3A_233 = vector.broadcast %mul3A_232 : f32 to vector<60x1xf32>
      %mul3A_234 = arith.mulf %sub3A_231, %mul3A_233 : vector<60x1xf32>
      %select_n3A_235 = arith.select %eq3A_228, %sub3A_230, %mul3A_234 : vector<60x1xi1>, vector<60x1xf32>
      %eq3A_236 = arith.constant 0 : i32
      %eq3A_237 = vector.broadcast %eq3A_236 : i32 to vector<60x1xi32>
      %eq3A_238 = arith.cmpi eq, %iota3A_196, %eq3A_237 : vector<60x1xi32>
      %sub3A_239 = vector.broadcast %squeeze3A_104 : f32 to vector<60x1xf32>
      %sub3A_240 = arith.subf %select_n3A_221, %sub3A_239 : vector<60x1xf32>
      %sub3A_241 = arith.subf %select_n3A_221, %concatenate3A_225 : vector<60x1xf32>
      %mul3A_242 = arith.constant 1.000000e+01 : f32
      %mul3A_243 = vector.broadcast %mul3A_242 : f32 to vector<60x1xf32>
      %mul3A_244 = arith.mulf %sub3A_241, %mul3A_243 : vector<60x1xf32>
      %select_n3A_245 = arith.select %eq3A_238, %sub3A_240, %mul3A_244 : vector<60x1xi1>, vector<60x1xf32>
      %add3A_246 = vector.broadcast %squeeze3A : f32 to vector<60x1xf32>
      %add3A_247 = arith.addf %dot_general3A_182, %add3A_246 : vector<60x1xf32>
      %add3A_248 = arith.constant 3.14159274 : f32
      %add3A_249 = vector.broadcast %add3A_248 : f32 to vector<60x1xf32>
      %add3A_250 = arith.addf %add3A_247, %add3A_249 : vector<60x1xf32>
      %jit3A_251 = arith.constant 6.28318548 : f32
      %rem3A_252 = vector.broadcast %jit3A_251 : f32 to vector<60x1xf32>
      %rem3A_253 = arith.remf %add3A_250, %rem3A_252 : vector<60x1xf32>
      %ne3A_254 = arith.constant 0.000000e+00 : f32
      %ne3A_255 = vector.broadcast %ne3A_254 : f32 to vector<60x1xf32>
      %ne3A_256 = arith.cmpf one, %rem3A_253, %ne3A_255 : vector<60x1xf32>
      %lt3A_257 = arith.constant 0.000000e+00 : f32
      %lt3A_258 = vector.broadcast %lt3A_257 : f32 to vector<60x1xf32>
      %lt3A_259 = arith.cmpf olt, %rem3A_253, %lt3A_258 : vector<60x1xf32>
      %lt3A_260 = arith.constant 0.000000e+00 : f32
      %lt3A_261 = arith.cmpf olt, %jit3A_251, %lt3A_260 : f32
      %ne3A_262 = vector.broadcast %lt3A_261 : i1 to vector<60x1xi1>
      %ne3A_263 = vector.broadcast %ne3A_262 : vector<60x1xi1> to vector<60x1xi1>
      %ne3A_264 = arith.xori %lt3A_259, %ne3A_263 : vector<60x1xi1>
      %and3A_265 = arith.andi %ne3A_264, %ne3A_256 : vector<60x1xi1>
      %add3A_266 = vector.broadcast %jit3A_251 : f32 to vector<60x1xf32>
      %add3A_267 = arith.addf %rem3A_253, %add3A_266 : vector<60x1xf32>
      %select_n3A_268 = arith.select %and3A_265, %add3A_267, %rem3A_253 : vector<60x1xi1>, vector<60x1xf32>
      %sub3A_269 = arith.constant 3.14159274 : f32
      %sub3A_270 = vector.broadcast %sub3A_269 : f32 to vector<60x1xf32>
      %sub3A_271 = arith.subf %select_n3A_268, %sub3A_270 : vector<60x1xf32>
      %concatenate3A_272 = tpu.concatenate %sub3A_271, %select_n3A_235, %select_n3A_245 in 1 : vector<60x1xf32>, vector<60x1xf32>, vector<60x1xf32> -> vector<60x3xf32>
      %swap3A_273 = arith.constant 0 : index
      %swap3A_274 = arith.constant 0 : index
      %swap3A_275 = vector.load %arg17[%swap3A_273, %swap3A_274] : memref<60x3xf32, #tpu.memory_space<vmem>>, vector<60x3xf32>
      tpu.vector_store %arg17[%swap3A_273, %swap3A_274], %concatenate3A_272 {strides = array<i32>} : memref<60x3xf32, #tpu.memory_space<vmem>>, vector<60x3xf32>,
      %broadcast_in_dim3A_276 = arith.constant 0.000000e+00 : f32
      %broadcast_in_dim3A_277 = vector.broadcast %broadcast_in_dim3A_276 : f32 to vector<60x2048xf32>
      %swap3A_278 = arith.constant 0 : index
      %swap3A_279 = arith.constant 0 : index
      %swap3A_280 = vector.load %arg18[%swap3A_278, %swap3A_279] : memref<60x2048xf32, #tpu.memory_space<vmem>>, vector<60x2048xf32>
      tpu.vector_store %arg18[%swap3A_278, %swap3A_279], %broadcast_in_dim3A_277 {strides = array<i32>} : memref<60x2048xf32, #tpu.memory_space<vmem>>, vector<60x2048xf32>,
    } else {
    }
    %get3A = arith.constant 0 : index
    %get3A_2 = arith.constant 0 : index
    %get3A_3 = vector.load %arg17[%get3A, %get3A_2] : memref<60x3xf32, #tpu.memory_space<vmem>>, vector<60x1xf32>
    %get3A_4 = arith.constant 0 : index
    %get3A_5 = arith.constant 1 : index
    %get3A_6 = vector.load %arg17[%get3A_4, %get3A_5] : memref<60x3xf32, #tpu.memory_space<vmem>>, vector<60x1xf32>
    %get3A_7 = arith.constant 0 : index
    %get3A_8 = arith.constant 2 : index
    %get3A_9 = vector.load %arg17[%get3A_7, %get3A_8] : memref<60x3xf32, #tpu.memory_space<vmem>>, vector<60x1xf32>
    %get3A_10 = arith.constant 0 : index
    %get3A_11 = arith.constant 0 : index
    %get3A_12 = vector.load %arg9[%get3A_10, %get3A_11] : memref<3x1024xf32, #tpu.memory_space<vmem>>, vector<1x1024xf32>
    %mul3A = vector.broadcast %get3A_3 : vector<60x1xf32> to vector<60x1024xf32>
    %mul3A_13 = vector.broadcast %get3A_12 : vector<1x1024xf32> to vector<60x1024xf32>
    %mul3A_14 = arith.mulf %mul3A, %mul3A_13 : vector<60x1024xf32>
    %get3A_15 = arith.constant 1 : index
    %get3A_16 = arith.constant 0 : index
    %get3A_17 = vector.load %arg9[%get3A_15, %get3A_16] : memref<3x1024xf32, #tpu.memory_space<vmem>>, vector<1x1024xf32>
    %mul3A_18 = vector.broadcast %get3A_6 : vector<60x1xf32> to vector<60x1024xf32>
    %mul3A_19 = vector.broadcast %get3A_17 : vector<1x1024xf32> to vector<60x1024xf32>
    %mul3A_20 = arith.mulf %mul3A_18, %mul3A_19 : vector<60x1024xf32>
    %add3A = arith.addf %mul3A_14, %mul3A_20 : vector<60x1024xf32>
    %get3A_21 = arith.constant 2 : index
    %get3A_22 = arith.constant 0 : index
    %get3A_23 = vector.load %arg9[%get3A_21, %get3A_22] : memref<3x1024xf32, #tpu.memory_space<vmem>>, vector<1x1024xf32>
    %mul3A_24 = vector.broadcast %get3A_9 : vector<60x1xf32> to vector<60x1024xf32>
    %mul3A_25 = vector.broadcast %get3A_23 : vector<1x1024xf32> to vector<60x1024xf32>
    %mul3A_26 = arith.mulf %mul3A_24, %mul3A_25 : vector<60x1024xf32>
    %add3A_27 = arith.addf %add3A, %mul3A_26 : vector<60x1024xf32>
    %get3A_28 = arith.constant 0 : index
    %get3A_29 = arith.constant 0 : index
    %get3A_30 = vector.load %arg10[%get3A_28, %get3A_29] : memref<1x1024xf32, #tpu.memory_space<vmem>>, vector<1x1024xf32>
    %add3A_31 = vector.broadcast %get3A_30 : vector<1x1024xf32> to vector<60x1024xf32>
    %add3A_32 = arith.addf %add3A_27, %add3A_31 : vector<60x1024xf32>
    %max3A = arith.constant 0.000000e+00 : f32
    %max3A_33 = vector.broadcast %max3A : f32 to vector<60x1024xf32>
    %max3A_34 = arith.maximumf %add3A_32, %max3A_33 : vector<60x1024xf32>
    %get3A_35 = arith.constant 0 : index
    %get3A_36 = arith.constant 0 : index
    %get3A_37 = vector.load %arg18[%get3A_35, %get3A_36] : memref<60x2048xf32, #tpu.memory_space<vmem>>, vector<60x2048xf32>
    %get3A_38 = arith.constant 0 : index
    %get3A_39 = arith.constant 0 : index
    %get3A_40 = vector.load %arg11[%get3A_38, %get3A_39] : memref<1024x2048xf32, #tpu.memory_space<vmem>>, vector<1024x2048xf32>
    %dot_general3A = arith.constant dense<0.000000e+00> : vector<60x2048xf32>
    %dot_general3A_41 = tpu.matmul %max3A_34, %get3A_40, %dot_general3A {dimension_numbers = #tpu.dot_dimension_numbers<[1], [0], [0], [1], [0, 0, 1, 1], [], []>, transpose_lhs_hint = false} : vector<60x1024xf32>, vector<1024x2048xf32>, vector<60x2048xf32> -> vector<60x2048xf32>
    %add3A_42 = arith.addf %get3A_37, %dot_general3A_41 : vector<60x2048xf32>
    %swap3A = arith.constant 0 : index
    %swap3A_43 = arith.constant 0 : index
    %swap3A_44 = vector.load %arg18[%swap3A, %swap3A_43] : memref<60x2048xf32, #tpu.memory_space<vmem>>, vector<60x2048xf32>
    tpu.vector_store %arg18[%swap3A, %swap3A_43], %add3A_42 {strides = array<i32>} : memref<60x2048xf32, #tpu.memory_space<vmem>>, vector<60x2048xf32>,
    %eq3A_45 = arith.constant 3 : i32
    %eq3A_46 = arith.cmpi eq, %arg0, %eq3A_45 : i32
    %convert_element_type3A_47 = arith.extui %eq3A_46 : i1 to i32
    %cond3A_48 = arith.constant 0 : i32
    %cond3A_49 = arith.cmpi ne, %convert_element_type3A_47, %cond3A_48 : i32
    scf.if %cond3A_49 {
      %get3A_50 = arith.constant 0 : index
      %get3A_51 = arith.constant 0 : index
      %get3A_52 = vector.load %arg18[%get3A_50, %get3A_51] : memref<60x2048xf32, #tpu.memory_space<vmem>>, vector<60x2048xf32>
      %get3A_53 = arith.constant 0 : index
      %get3A_54 = arith.constant 0 : index
      %get3A_55 = vector.load %arg12[%get3A_53, %get3A_54] : memref<1x2048xf32, #tpu.memory_space<vmem>>, vector<1x2048xf32>
      %add3A_56 = vector.broadcast %get3A_55 : vector<1x2048xf32> to vector<60x2048xf32>
      %add3A_57 = arith.addf %get3A_52, %add3A_56 : vector<60x2048xf32>
      %get3A_58 = arith.constant 0 : index
      %get3A_59 = arith.constant 0 : index
      %get3A_60 = vector.load %arg13[%get3A_58, %get3A_59] : memref<2048x3xf32, #tpu.memory_space<vmem>>, vector<2048x3xf32>
      %dot_general3A_61 = arith.constant dense<0.000000e+00> : vector<60x3xf32>
      %dot_general3A_62 = tpu.matmul %add3A_57, %get3A_60, %dot_general3A_61 {dimension_numbers = #tpu.dot_dimension_numbers<[1], [0], [0], [1], [0, 0, 1, 1], [], []>, transpose_lhs_hint = false} : vector<60x2048xf32>, vector<2048x3xf32>, vector<60x3xf32> -> vector<60x3xf32>
      %get3A_63 = arith.constant 0 : index
      %get3A_64 = arith.constant 0 : index
      %get3A_65 = vector.load %arg14[%get3A_63, %get3A_64] : memref<1x3xf32, #tpu.memory_space<vmem>>, vector<1x3xf32>
      %add3A_66 = vector.broadcast %get3A_65 : vector<1x3xf32> to vector<60x3xf32>
      %add3A_67 = arith.addf %dot_general3A_62, %add3A_66 : vector<60x3xf32>
      %tanh3A = math.tanh %add3A_67 : vector<60x3xf32>
      %swap3A_68 = arith.constant 0 : index
      %swap3A_69 = arith.constant 0 : index
      %swap3A_70 = vector.load %arg15[%swap3A_68, %swap3A_69] : memref<60x3xf32, #tpu.memory_space<vmem>>, vector<60x3xf32>
      tpu.vector_store %arg15[%swap3A_68, %swap3A_69], %tanh3A {strides = array<i32>} : memref<60x3xf32, #tpu.memory_space<vmem>>, vector<60x3xf32>,
      %abs3A = math.absf %add3A_67 : vector<60x3xf32>
      %neg3A = arith.constant 0.000000e+00 : f32
      %neg3A_71 = vector.broadcast %neg3A : f32 to vector<60x3xf32>
      %neg3A_72 = arith.subf %neg3A_71, %abs3A : vector<60x3xf32>
      %exp3A = math.exp %neg3A_72 : vector<60x3xf32>
      %log1p3A = math.log1p %exp3A : vector<60x3xf32>
      %max3A_73 = arith.constant 0.000000e+00 : f32
      %max3A_74 = vector.broadcast %max3A_73 : f32 to vector<60x3xf32>
      %max3A_75 = arith.maximumf %add3A_67, %max3A_74 : vector<60x3xf32>
      %add3A_76 = arith.addf %log1p3A, %max3A_75 : vector<60x3xf32>
      %add3A_77 = arith.constant 9.99999993E-9 : f32
      %add3A_78 = vector.broadcast %add3A_77 : f32 to vector<60x3xf32>
      %add3A_79 = arith.addf %add3A_76, %add3A_78 : vector<60x3xf32>
      %swap3A_80 = arith.constant 0 : index
      %swap3A_81 = arith.constant 0 : index
      %swap3A_82 = vector.load %arg16[%swap3A_80, %swap3A_81] : memref<60x3xf32, #tpu.memory_space<vmem>>, vector<60x3xf32>
      tpu.vector_store %arg16[%swap3A_80, %swap3A_81], %add3A_79 {strides = array<i32>} : memref<60x3xf32, #tpu.memory_space<vmem>>, vector<60x3xf32>,
    } else {
    }
    return
  }
  func.func @transform_0(%arg0: i32, %arg1: memref<1xi32, #tpu.memory_space<smem>>) -> (i32, i32) {
    %c0_i32 = arith.constant 0 : i32
    %c0_i32_0 = arith.constant 0 : i32
    %c0_i32_1 = arith.constant 0 : i32
    return %c0_i32, %c0_i32_0 : i32, i32
  }
  func.func @transform_1(%arg0: i32, %arg1: memref<1xi32, #tpu.memory_space<smem>>) -> (i32, i32) {
    %c0_i32 = arith.constant 0 : i32
    %c0_i32_0 = arith.constant 0 : i32
    %c0_i32_1 = arith.constant 0 : i32
    return %c0_i32, %c0_i32_0 : i32, i32
  }
  func.func @transform_2(%arg0: i32, %arg1: memref<1xi32, #tpu.memory_space<smem>>) -> (i32, i32) {
    %c0_i32 = arith.constant 0 : i32
    %c0_i32_0 = arith.constant 0 : i32
    %c0_i32_1 = arith.constant 0 : i32
    return %c0_i32, %c0_i32_0 : i32, i32
  }
  func.func @transform_3(%arg0: i32, %arg1: memref<1xi32, #tpu.memory_space<smem>>) -> (i32, i32) {
    %c0_i32 = arith.constant 0 : i32
    %c0_i32_0 = arith.constant 0 : i32
    %c0_i32_1 = arith.constant 0 : i32
    return %c0_i32, %c0_i32_0 : i32, i32
  }
  func.func @transform_4(%arg0: i32, %arg1: memref<1xi32, #tpu.memory_space<smem>>) -> (i32, i32) {
    %c0_i32 = arith.constant 0 : i32
    %c0_i32_0 = arith.constant 0 : i32
    %c0_i32_1 = arith.constant 0 : i32
    return %c0_i32, %c0_i32_0 : i32, i32
  }
  func.func @transform_5(%arg0: i32, %arg1: memref<1xi32, #tpu.memory_space<smem>>) -> (i32, i32) {
    %c0_i32 = arith.constant 0 : i32
    %c0_i32_0 = arith.constant 0 : i32
    %c0_i32_1 = arith.constant 0 : i32
    return %c0_i32, %c0_i32_0 : i32, i32
  }
  func.func @transform_6(%arg0: i32, %arg1: memref<1xi32, #tpu.memory_space<smem>>) -> (i32, i32) {
    %c0_i32 = arith.constant 0 : i32
    %c0_i32_0 = arith.constant 0 : i32
    %c0_i32_1 = arith.constant 0 : i32
    return %c0_i32, %c0_i32_0 : i32, i32
  }
  func.func @transform_7(%arg0: i32, %arg1: memref<1xi32, #tpu.memory_space<smem>>) -> (i32, i32) {
    %c0_i32 = arith.constant 0 : i32
    %c0_i32_0 = arith.constant 0 : i32
    return %c0_i32, %arg0 : i32, i32
  }
  func.func @transform_8(%arg0: i32, %arg1: memref<1xi32, #tpu.memory_space<smem>>) -> (i32, i32) {
    %c0_i32 = arith.constant 0 : i32
    %c0_i32_0 = arith.constant 0 : i32
    return %c0_i32, %arg0 : i32, i32
  }
  func.func @transform_9(%arg0: i32, %arg1: memref<1xi32, #tpu.memory_space<smem>>) -> (i32, i32) {
    %c0_i32 = arith.constant 0 : i32
    %c0_i32_0 = arith.constant 0 : i32
    return %arg0, %c0_i32 : i32, i32
  }
  func.func @transform_10(%arg0: i32, %arg1: memref<1xi32, #tpu.memory_space<smem>>) -> (i32, i32) {
    %c0_i32 = arith.constant 0 : i32
    %c0_i32_0 = arith.constant 0 : i32
    %c0_i32_1 = arith.constant 0 : i32
    return %c0_i32, %c0_i32_0 : i32, i32
  }
  func.func @transform_11(%arg0: i32, %arg1: memref<1xi32, #tpu.memory_space<smem>>) -> (i32, i32) {
    %c0_i32 = arith.constant 0 : i32
    %c0_i32_0 = arith.constant 0 : i32
    %c0_i32_1 = arith.constant 0 : i32
    return %c0_i32, %c0_i32_0 : i32, i32
  }
  func.func @transform_12(%arg0: i32, %arg1: memref<1xi32, #tpu.memory_space<smem>>) -> (i32, i32) {
    %c0_i32 = arith.constant 0 : i32
    %c0_i32_0 = arith.constant 0 : i32
    %c0_i32_1 = arith.constant 0 : i32
    return %c0_i32, %c0_i32_0 : i32, i32
  }
  func.func @transform_13(%arg0: i32, %arg1: memref<1xi32, #tpu.memory_space<smem>>) -> (i32, i32) {
    %c0_i32 = arith.constant 0 : i32
    %c0_i32_0 = arith.constant 0 : i32
    %c0_i32_1 = arith.constant 0 : i32
    return %c0_i32, %c0_i32_0 : i32, i32
  }
  func.func @transform_14(%arg0: i32, %arg1: memref<1xi32, #tpu.memory_space<smem>>) -> (i32, i32) {
    %c0_i32 = arith.constant 0 : i32
    %c0_i32_0 = arith.constant 0 : i32
    %c0_i32_1 = arith.constant 0 : i32
    return %c0_i32, %c0_i32_0 : i32, i32
  }
}

</mosaic_0001>

<sc_bundles>
// kernel: kernel.4.cloned.1.call-start
scs
__scs_entry_jumppad:
0x0: {  	(pc) =	sbr.rel $0x88, $3  }
0x1: {  	(tag) =	ssettag $0x0;
	lr =	simm.s32 $0x1  }
0x2: {  	[smem:$0x3F93] =	sst lr;
	_ =	strace $0xD0000000  }
0x3: {  	_ = 	snop  }
0x4: {  	_ = 	snop  }
0x5: {  	_ = 	snop  }
0x6: {  	_ = 	snop  }
0x7: {  	_ = 	snop  }
__scs_overlays_trampoline_lowered:
0x8: {  	[smem:$0x3FA2] =	sst s0  }
0x9: {  	[smem:$0x3FA3] =	sst s1  }
0xa: {  	[smem:$0x3FA4] =	sst s2  }
0xb: {  	[smem:$0x3FA5] =	sst s3  }
0xc: {  	[smem:$0x3FA6] =	sst s4  }
0xd: {  	[smem:$0x3FA7] =	sst s5  }
0xe: {  	[smem:$0x3FA8] =	sst s6  }
0xf: {  	[smem:$0x3FA9] =	sst s7  }
0x10: {  	[smem:$0x3FAA] =	sst s8  }
0x11: {  	[smem:$0x3FAB] =	sst s9;
	s0 =	simm.s32 @!p0 $0x0  }
0x12: {  	s1 =	sld [smem:$0x3F91];
	s0 =	simm.s32 @p0 $0x1  }
0x13: {  	[smem:$0x3FAC] =	sst s0;
	s0 =	simm.s32 @!p1 $0x0  }
0x14: {  	s2 =	sld [smem:$0x3F90];
	s0 =	simm.s32 @p1 $0x1  }
0x15: {  	[smem:$0x3FAD] =	sst s0;
	s0 =	simm.s32 @!p2 $0x0  }
0x16: {  	s3 =	sld [smem:$0x3FDB];
	s0 =	simm.s32 @p2 $0x1  }
0x17: {  	s4 =	simm.s32 $0x1BF5;
	[smem:$0x3FAF] =	sst s0  }
0x18: {  	s0 =	sld [smem:$0x3F92];
	_ =	swait.ge [sflag:s4], $0x0  }
0x19: {  	s7 =	sld [smem:$0x3F93]  }
0x1a: {  	s8 =	sadd.s32 $0xFFFFE003, lr  }
0x1b: {  	s9 =	sadd.s32 $0xFFFFFEF7, lr;
	s5 =	simm.s32 $0xFFFFFFFF;
	p2 =	slt.u32 s8, $0xFFFFF086  }
0x1c: {  	p1 =	slt.u32 s9, $0xF7A;
	s5 =	simm.s32 @!p2 $0x0  }
0x1d: {  	s5 =	simm.s32 @p1 $0x1;
	p0 =	seq.s32 s7, s2  }
0x1e: {  	s7 =	smul.u32 @!p0 $0xF7A, s2;
	p2 =	seq.s32 @!p0 s5, $0x0  }
0x1f: {  	s9 =	smul.u32 $0xF7A, s1;
	s8 =	simm.s32 @!p0 $0x1BF5;
	p2 =	por !p2, p0  }
0x20: {  	[sflag:s8] =	ssyncset.s32 @!p0 $0xFFFFF086;
	s6 =	sadd.s32 @!p0 s3, s7;
	s7 =	simm.s32 @!p0 $0x108  }
0x21: {  	s3 =	sadd.s32 s3, s9;
	s6 =	sadd.s32 @!p0 $0x88, s6;
	s7 =	simm.s32 @p2 $0x1082  }
0x22: {  	[simem:s7], [sflag:s8] =	dma.local @!p0 [hbm:s6], $0xF7A  }
0x23: {  	s9 =	sor.u32 $0xD0000000, s2;
	s6 =	simm.s32 $0x108;
	_ =	swait.ge @!p0 [sflag:s8], $0x0  }
0x24: {  	s3 =	sadd.s32 $0x88, s3;
	s6 =	simm.s32 @!p1 $0x1082;
	[sflag:s4] =	ssyncset.s32 $0xFFFFF086  }
0x25: {  	[simem:s6], [sflag:s4] =	dma.local [hbm:s3], $0xF7A  }
0x26: {  	[smem:$0x3F93] =	sst s1;
	(tag) =	ssettag s2;
	_ =	strace s9  }
0x27: {  	s1 =	sld [smem:$0x3FA3]  }
0x28: {  	s2 =	sld [smem:$0x3FA4]  }
0x29: {  	s4 =	sld [smem:$0x3FA6]  }
0x2a: {  	p0 =	seq.s32 s5, $0x0;
	s5 =	sld [smem:$0x3FA7]  }
0x2b: {  	s6 =	sld [smem:$0x3FA8]  }
0x2c: {  	s7 =	sld [smem:$0x3FA9]  }
0x2d: {  	s3 =	simm.s32 $0x108;
	s8 =	sld [smem:$0x3FAA]  }
0x2e: {  	s3 =	simm.s32 @!p0 $0x1082;
	s9 =	sld [smem:$0x3FAB]  }
0x2f: {  	lr =	sadd.s32 s0, s3;
	s0 =	sld [smem:$0x3FA2]  }
0x30: {  	s3 =	sld [smem:$0x3FA5]  }
0x31: {  	[smem:$0x3FAE] =	sst s10  }
0x32: {  	s10 =	sld [smem:$0x3FAC];
	_ =	sdelay $0x3  }
0x33: {  	p0 =	seq.s32 s10, $0x1;
	s10 =	sld [smem:$0x3FAE];
	_ =	sdelay $0x3  }
0x34: {  	[smem:$0x3FAE] =	sst s10  }
0x35: {  	s10 =	sld [smem:$0x3FAD];
	_ =	sdelay $0x3  }
0x36: {  	p1 =	seq.s32 s10, $0x1;
	s10 =	sld [smem:$0x3FAE];
	_ =	sdelay $0x3  }
0x37: {  	[smem:$0x3FAE] =	sst s10  }
0x38: {  	s10 =	sld [smem:$0x3FAF]  }
0x39: {  	_ = 	snop;
	(pc) =	sbr.ind lr, $3  }
0x3a: {  	_ = 	snop  }
0x3b: {  	_ = 	snop  }
0x3c: {  	p2 =	seq.s32 s10, $0x1;
	s10 =	sld [smem:$0x3FAE]  }
0x3d: {  	_ =	shalt  }
0x3e: {  	_ =	shalt  }
0x3f: {  	_ =	shalt  }
0x40: {  	_ =	shalt  }
0x41: {  	_ =	shalt  }
0x42: {  	_ =	shalt  }
0x43: {  	_ =	shalt  }
0x44: {  	_ =	shalt  }
0x45: {  	_ =	shalt  }
0x46: {  	_ =	shalt  }
0x47: {  	_ =	shalt  }
0x48: {  	_ =	shalt  }
0x49: {  	_ =	shalt  }
0x4a: {  	_ =	shalt  }
0x4b: {  	_ =	shalt  }
0x4c: {  	_ =	shalt  }
0x4d: {  	_ =	shalt  }
0x4e: {  	_ =	shalt  }
0x4f: {  	_ =	shalt  }
0x50: {  	_ =	shalt  }
0x51: {  	_ =	shalt  }
0x52: {  	_ =	shalt  }
0x53: {  	_ =	shalt  }
0x54: {  	_ =	shalt  }
0x55: {  	_ =	shalt  }
0x56: {  	_ =	shalt  }
0x57: {  	_ =	shalt  }
0x58: {  	_ =	shalt  }
0x59: {  	_ =	shalt  }
0x5a: {  	_ =	shalt  }
0x5b: {  	_ =	shalt  }
0x5c: {  	_ =	shalt  }
0x5d: {  	_ =	shalt  }
0x5e: {  	_ =	shalt  }
0x5f: {  	_ =	shalt  }
0x60: {  	_ =	shalt  }
0x61: {  	_ =	shalt  }
0x62: {  	_ =	shalt  }
0x63: {  	_ =	shalt  }
0x64: {  	_ =	shalt  }
0x65: {  	_ =	shalt  }
0x66: {  	_ =	shalt  }
0x67: {  	_ =	shalt  }
0x68: {  	_ =	shalt  }
0x69: {  	_ =	shalt  }
0x6a: {  	_ =	shalt  }
0x6b: {  	_ =	shalt  }
0x6c: {  	_ =	shalt  }
0x6d: {  	_ =	shalt  }
0x6e: {  	_ =	shalt  }
0x6f: {  	_ =	shalt  }
0x70: {  	_ =	shalt  }
0x71: {  	_ =	shalt  }
0x72: {  	_ =	shalt  }
0x73: {  	_ =	shalt  }
0x74: {  	_ =	shalt  }
0x75: {  	_ =	shalt  }
0x76: {  	_ =	shalt  }
0x77: {  	_ =	shalt  }
0x78: {  	_ =	shalt  }
0x79: {  	_ =	shalt  }
0x7a: {  	_ =	shalt  }
0x7b: {  	_ =	shalt  }
0x7c: {  	_ =	shalt  }
0x7d: {  	_ =	shalt  }
0x7e: {  	_ =	shalt  }
0x7f: {  	_ =	shalt  }
0x80: {  	_ =	shalt  }
0x81: {  	_ =	shalt  }
0x82: {  	_ =	shalt  }
0x83: {  	_ =	shalt  }
0x84: {  	_ =	shalt  }
0x85: {  	_ =	shalt  }
0x86: {  	_ =	shalt  }
0x87: {  	_ =	shalt  }
.Lfunc_end0:
.L_simem_size_0:
called_computation_lowered:
.L_overlay_start_0:
0x88: {  	s2 =	sld [smem:$0x3FD9]  }
0x89: {  	s3 =	sld [smem:$0x3FFE];
	_ =	sdelay $0x1  }
0x8a: {  	s1 =	srdreg.scid  }
0x8b: {  	s0 =	sand.u32 $0x1, s1  }
0x8c: {  	s22 =	sshll.u32 s0, $0xA;
	s2 =	sadd.s32 s3, s2  }
0x8d: {  	s2 =	sadd.s32 s2, s22  }
0x8e: {  	s6 =	simm.s32 $0x0;
	[smem:$0x3FBA] =	sst s2  }
0x8f: {  	[smem:$0xF] =	sst s6  }
0x90: {  	s3 =	sld [smem:$0x3FC8]  }
0x91: {  	s4 =	sld [smem:$0x3FC7]  }
0x92: {  	s2 =	sld [smem:$0x3FC6]  }
0x93: {  	s5 =	sld [smem:$0x3FC5];
	(tm) =	ssettm $0x1  }
0x94: {  	s23 =	sld [smem:$0x3FFB];
	_ =	sdelay $0x3  }
0x95: {  	_ =	strace s23  }
0x96: {  	s6 =	sld [smem:$0x3FFC];
	_ =	sdelay $0x3  }
0x97: {  	_ =	strace s6  }
0x98: {  	s6 =	sld [smem:$0x3FFD];
	_ =	sdelay $0x3  }
0x99: {  	_ =	strace s6  }
0x9a: {  	s24 =	simm.s32 $0x1B8B;
	_ =	strace $0x8FFFFFFF  }
0x9b: {  	_ =	swait.ge [sflag:s24], $0x1  }
0x9c: {  	[sflag:s24] =	ssyncset.done $0x0  }
0x9d: {  	s7 =	simm.s32 $0x1B8E;
	[sflag:s24] =	ssyncadd.s32 $0xFFFFFFFF  }
0x9e: {  	s8 =	simm.s32 $0x10;
	[smem:$0x3FD2] =	sst s7  }
0x9f: {  	s25 =	sld [smem:$0x3FFE];
	s7 =	simm.s32 $0xA;
	_ =	strace $0x80000046  }
0xa0: {  	[smem:s8], [sflag:s7] =	dma.local [hbm:s5], $0x10  }
0xa1: {  	_ =	swait.ge [sflag:s7], $0x10  }
0xa2: {  	[sflag:s7] =	ssyncset.done $0x0  }
0xa3: {  	[sflag:s7] =	ssyncadd.s32 $0xFFFFFFF0  }
0xa4: {  	s26 =	sld [smem:$0x10];
	_ =	sdelay $0x3  }
0xa5: {  	s28 =	sand.u32 $0x7F, s26  }
0xa6: {  	s9 =	sshra.s32 s26, $0x1F;
	p0 =	slt.s32 s26, $0x1;
	p1 =	sne.s32 s28, $0x0  }
0xa7: {  	s29 =	sshrl.u32 s9, $0x19;
	p0 =	por !p0, !p1  }
0xa8: {  	s8 =	simm.s32 $0x1;
	s5 =	sadd.s32 s29, s26;
	p0 =	por !p0, !p0  }
0xa9: {  	s5 =	sshra.s32 s5, $0x7;
	s8 =	simm.s32 @!p0 $0x0  }
0xaa: {  	p0 =	seq.s32 s0, $0x1;
	s5 =	ssub.s32 s5, s8  }
0xab: {  	s8 =	sshll.u32 @p0 s5, $0xA  }
0xac: {  	s10 =	sadd.s32 $0x2000, s25;
	s9 =	sadd.s32 @p0 $0x114800, s8  }
0xad: {  	s11 =	sadd.s32 @p0 $0x700, s10;
	s12 =	simm.s32 @p0 $0x8;
	s9 =	sshrl.u32 @p0 s9, $0x3  }
0xae: {  	s13 =	simm.s32 @p0 $0x80;
	s14 =	simm.s32 @p0 $0x2780;
	s9 =	sadd.s32 @p0 s3, s9  }
0xaf: {  	[hbm:s11@s13], [sflag:s7] =	dma.strided @p0 [hbm:s9@s14], $0x700, s12, $0x10   }
0xb0: {  	s8 =	sadd.s32 @p0 $0x76800, s8;
	s9 =	simm.s32 @p0 $0xA  }
0xb1: {  	s8 =	sshrl.u32 @p0 s8, $0x3;
	_ =	swait.ge @p0 [sflag:s9], $0x700  }
0xb2: {  	s4 =	sadd.s32 @p0 s4, s8;
	s8 =	simm.s32 @p0 $0x22900;
	[sflag:s9] =	ssyncset.done @p0 $0x0  }
0xb3: {  	s11 =	sadd.s32 $0x2E00, s25;
	[sflag:s9] =	ssyncadd.s32 @p0 $0xFFFFF900;
	s9 =	simm.s32 @p0 $0x9  }
0xb4: {  	[hbm:s11@s13], [sflag:s9] =	dma.strided @p0 [hbm:s4@s8], $0x100, s12, $0x10   }
0xb5: {  	s4 =	sshll.u32 @!p0 s5, $0xA  }
0xb6: {  	s5 =	sshrl.u32 @!p0 s4, $0x3;
	_ =	swait.ge @p0 [sflag:s9], $0x100  }
0xb7: {  	s8 =	simm.s32 @!p0 $0x80;
	s3 =	sadd.s32 @!p0 s3, s5;
	[sflag:s9] =	ssyncset.done @p0 $0x0  }
0xb8: {  	s5 =	simm.s32 @!p0 $0x8;
	[sflag:s9] =	ssyncadd.s32 @p0 $0xFFFFFF00;
	s9 =	simm.s32 @!p0 $0x2780  }
0xb9: {  	[hbm:s10@s8], [sflag:s7] =	dma.strided @!p0 [hbm:s3@s9], $0x700, s5, $0x10   }
0xba: {  	s3 =	simm.s32 @!p0 $0xA  }
0xbb: {  	_ =	swait.ge @!p0 [sflag:s3], $0x700  }
0xbc: {  	s4 =	sadd.s32 @!p0 $0x76800, s4;
	[sflag:s3] =	ssyncset.done @!p0 $0x0  }
0xbd: {  	s4 =	sshrl.u32 @!p0 s4, $0x3;
	[sflag:s3] =	ssyncadd.s32 @!p0 $0xFFFFF900  }
0xbe: {  	s2 =	sadd.s32 @!p0 s2, s4;
	s5 =	sadd.s32 $0x3000, s25  }
0xbf: {  	[hbm:s5], [sflag:s7] =	dma.local @!p0 [hbm:s2], $0x80  }
0xc0: {  	_ =	swait.ge @!p0 [sflag:s3], $0x80  }
0xc1: {  	[sflag:s3] =	ssyncset.done @!p0 $0x0  }
0xc2: {  	[sflag:s3] =	ssyncadd.s32 @!p0 $0xFFFFFF80  }
0xc3: {  	_ =	strace $0x90000046  }
0xc4: {  	_ =	sfence  }
0xc5: {  	s30 =	sld [smem:$0x0];
	_ =	sdelay $0x2  }
0xc6: {  	s31 =	sshll.u32 s1, $0xD;
	s1 =	sshrl.u32 s1, $0x2  }
0xc7: {  	s3 =	sand.u32 $0x4000, s31;
	s1 =	sadd.s32 s1, s30  }
0xc8: {  	s0 =	sor.u32 s3, s0;
	s1 =	sshll.u32 s1, $0x11  }
0xc9: {  	s0 =	sor.u32 s1, s0  }
0xca: {  	s0 =	sadd.s32 $0x8F2B, s0;
	(pc) =	sbr.abs _section_cstart, $3  }
0xcb: {  	[sflag:s0] =	ssyncadd.remote.s32 $0x1  }
0xcc: {  	_ =	strace $0x9FFFFFFF  }
0xcd: {  	(tm) =	ssettm $0x7FFFFFFF  }

</sc_bundles>
